<compile_context>
chip_gen: v7x
topology: tpu7x:2x2x1
jax: 0.10.2.dev20260603
libtpu: 0.0.44.dev20260713+nightly
codegen_flags: <defaults>
</compile_context>

<pallas_src>
import functools

import jax
import jax.numpy as jnp
from jax import lax
from jax.experimental import pallas as pl
from jax.experimental.pallas import tpu as pltpu
from jax.experimental.pallas import tpu_sc as plsc

B, N, D_NODE, D_OBS, H, A = 4096, 64, 128, 128, 64, 5
BB = 64
LP = 128
NEG = -1e30


def _sc_gather_rows(adj2, tile_idx):
    info = plsc.get_sparse_core_info()
    nc, ns = info.num_cores, info.num_subcores
    nw = nc * ns
    bpw = B // nw
    mesh = plsc.VectorSubcoreMesh(core_axis_name="c", subcore_axis_name="s")

    @functools.partial(
        pl.kernel,
        out_type=jax.ShapeDtypeStruct((B, 8 * N), jnp.float32),
        mesh=mesh,
        scratch_types=[
            pltpu.VMEM((bpw,), jnp.int32),
            pltpu.VMEM((bpw, 8 * N), jnp.float32),
            pltpu.SemaphoreType.DMA,
        ],
    )
    def gather_kernel(adj_hbm, idx_hbm, out_hbm, idx_v, rows_v, sem):
        wid = lax.axis_index("s") * nc + lax.axis_index("c")
        base = wid * bpw
        pltpu.sync_copy(idx_hbm.at[pl.ds(base, bpw)], idx_v)
        pltpu.async_copy(adj_hbm.at[idx_v], rows_v, sem).wait()
        pltpu.sync_copy(rows_v, out_hbm.at[pl.ds(base, bpw)])

    return gather_kernel(adj2, tile_idx)


def _dot3(a, b):
    return jnp.dot(a, b, preferred_element_type=jnp.float32)


def _tc_body(obs_ref, nobs_ref, rows8_ref, sel_ref, we_ref, be_ref, wm_ref,
             bm_ref, w1a_ref, w1b_ref, b1_ref, w2_ref, b2_ref, wact_ref,
             bact_ref, act_ref, logp_ref):
    nobs = nobs_ref[...].reshape(BB * N, D_NODE)
    h = jnp.maximum(
        _dot3(nobs, we_ref[...])
        + be_ref[...], 0.0)
    h3 = h.reshape(BB, N, H)

    row = jnp.zeros((BB, N), jnp.float32)
    for s in range(8):
        row = row + sel_ref[:, s:s + 1] * rows8_ref[:, s, :]

    maskf = (row < 0.3).astype(jnp.float32)
    deg = jnp.maximum(jnp.sum(maskf, axis=1, keepdims=True), 1.0)
    rowid = lax.broadcasted_iota(jnp.int32, (BB, BB * N), 0)
    blkid = lax.broadcasted_iota(jnp.int32, (BB, BB * N), 1) // N
    mtile = jnp.broadcast_to(maskf[:, None, :], (BB, BB, N)).reshape(BB, BB * N)
    bd = jnp.where(rowid == blkid, mtile, 0.0)
    acc = _dot3(bd, h)
    agg = acc / deg

    nbd = jnp.maximum(
        _dot3(agg, wm_ref[...])
        + bm_ref[...], 0.0)
    x = jnp.maximum(
        _dot3(obs_ref[...], w1a_ref[...])
        + _dot3(nbd, w1b_ref[...])
        + b1_ref[...], 0.0)
    x = jnp.maximum(
        _dot3(x, w2_ref[...])
        + b2_ref[...], 0.0)
    logits = (_dot3(x, wact_ref[...])
              + bact_ref[...])

    col = lax.broadcasted_iota(jnp.int32, (BB, LP), 1)
    logits = jnp.where(col < A, logits, NEG)
    m = jnp.max(logits, axis=1, keepdims=True)
    idx = jnp.min(jnp.where(logits == m, col, LP), axis=1)
    ssum = jnp.sum(jnp.exp(logits - m), axis=1)
    logp = -jnp.log(ssum)

    act_ref[...] = idx.reshape(1, 1, BB)
    logp_ref[...] = logp.reshape(1, 1, BB)


def kernel(obs, node_obs, adj, agent_id, W_embed, b_embed, W_msg, b_msg,
           W1, b1, W2, b2, W_act, b_act):
    tile_idx = (jnp.arange(B, dtype=jnp.int32) * 8
                + jnp.right_shift(agent_id, 3))
    rows8 = _sc_gather_rows(adj.reshape(B * N // 8, 8 * N),
                            tile_idx).reshape(B, 8, N)
    sel = (agent_id[:, None] % 8 ==
           jnp.arange(8, dtype=jnp.int32)[None, :]).astype(jnp.float32)

    W1a, W1b = W1[:D_OBS], W1[D_OBS:]
    W_act_p = jnp.zeros((H, LP), jnp.float32).at[:, :A].set(W_act)
    b_act_p = jnp.zeros((1, LP), jnp.float32).at[0, :A].set(b_act)

    G = B // BB
    grid_spec = pl.GridSpec(
        grid=(G,),
        in_specs=[
            pl.BlockSpec((BB, D_OBS), lambda i: (i, 0)),
            pl.BlockSpec((BB, N, D_NODE), lambda i: (i, 0, 0)),
            pl.BlockSpec((BB, 8, N), lambda i: (i, 0, 0)),
            pl.BlockSpec((BB, 8), lambda i: (i, 0)),
            pl.BlockSpec((D_NODE, H), lambda i: (0, 0)),
            pl.BlockSpec((1, H), lambda i: (0, 0)),
            pl.BlockSpec((H, H), lambda i: (0, 0)),
            pl.BlockSpec((1, H), lambda i: (0, 0)),
            pl.BlockSpec((D_OBS, H), lambda i: (0, 0)),
            pl.BlockSpec((H, H), lambda i: (0, 0)),
            pl.BlockSpec((1, H), lambda i: (0, 0)),
            pl.BlockSpec((H, H), lambda i: (0, 0)),
            pl.BlockSpec((1, H), lambda i: (0, 0)),
            pl.BlockSpec((H, LP), lambda i: (0, 0)),
            pl.BlockSpec((1, LP), lambda i: (0, 0)),
        ],
        out_specs=[
            pl.BlockSpec((1, 1, BB), lambda i: (i, 0, 0)),
            pl.BlockSpec((1, 1, BB), lambda i: (i, 0, 0)),
        ],
    )
    act3, logp3 = pl.pallas_call(
        _tc_body,
        grid_spec=grid_spec,
        out_shape=[
            jax.ShapeDtypeStruct((G, 1, BB), jnp.int32),
            jax.ShapeDtypeStruct((G, 1, BB), jnp.float32),
        ],
        compiler_params=pltpu.CompilerParams(
            dimension_semantics=("arbitrary",)),
    )(obs, node_obs, rows8, sel, W_embed, b_embed.reshape(1, H), W_msg,
      b_msg.reshape(1, H), W1a, W1b, b1.reshape(1, H), W2,
      b2.reshape(1, H), W_act_p, b_act_p)

    return act3.reshape(B), logp3.reshape(B, 1)

# --- scband reference (transcript-rebuilt; emitter-appended) ---
"""Pipeline reference for scband-gr-actor-90580860273228 (READ-ONLY COPY).

The authoritative reference and input builder live on the scoring server;
editing this copy changes nothing except your own understanding.
"""

import jax, jax.numpy as jnp
import numpy as np

B, N, D_NODE, D_OBS, H, A = 4096, 64, 128, 128, 64, 5


def setup_inputs(seed: int = 0) -> dict:
    key = jax.random.key(seed)
    ks = jax.random.split(key, 12)
    s = 0.05
    inp = {}
    inp["obs"] = jax.random.normal(ks[0], (B, D_OBS), dtype=jnp.float32)
    inp["node_obs"] = jax.random.normal(ks[1], (B, N, D_NODE), dtype=jnp.float32)
    inp["adj"] = jax.random.uniform(ks[2], (B, N, N), dtype=jnp.float32)
    inp["agent_id"] = jax.random.randint(ks[3], (B,), 0, N, dtype=jnp.int32)
    inp["W_embed"] = jax.random.normal(ks[4], (D_NODE, H), dtype=jnp.float32) * s
    inp["b_embed"] = jnp.zeros((H,), dtype=jnp.float32)
    inp["W_msg"] = jax.random.normal(ks[5], (H, H), dtype=jnp.float32) * s
    inp["b_msg"] = jnp.zeros((H,), dtype=jnp.float32)
    inp["W1"] = jax.random.normal(ks[6], (D_OBS + H, H), dtype=jnp.float32) * s
    inp["b1"] = jnp.zeros((H,), dtype=jnp.float32)
    inp["W2"] = jax.random.normal(ks[7], (H, H), dtype=jnp.float32) * s
    inp["b2"] = jnp.zeros((H,), dtype=jnp.float32)
    inp["W_act"] = jax.random.normal(ks[8], (H, A), dtype=jnp.float32) * s
    inp["b_act"] = jnp.zeros((A,), dtype=jnp.float32)
    return inp


def reference(obs, node_obs, adj, agent_id, W_embed, b_embed, W_msg, b_msg, W1, b1, W2, b2, W_act, b_act):
    # GNNBase: embed node features, masked mean-aggregate message passing
    h = jax.nn.relu(jnp.einsum('bnd,dh->bnh', node_obs, W_embed) + b_embed)
    mask = (adj < 0.3).astype(jnp.float32)  # edge exists when distance below sensing radius
    deg = jnp.clip(jnp.sum(mask, axis=-1, keepdims=True), 1.0, None)
    agg = jnp.einsum('bij,bjh->bih', mask, h) / deg
    h2 = jax.nn.relu(jnp.einsum('bnh,hk->bnk', agg, W_msg) + b_msg)
    # gather ego-agent node embedding (nbd_features)
    nbd = h2[jnp.arange(B), agent_id]  # [B, H]
    # concat with flat obs, MLPBase
    feat = jnp.concatenate([obs, nbd], axis=1)
    x = jax.nn.relu(feat @ W1 + b1)
    x = jax.nn.relu(x @ W2 + b2)
    # ACTLayer (deterministic mode): logits -> action + log-prob
    logits = x @ W_act + b_act
    logp = jax.nn.log_softmax(logits, axis=-1)
    actions = jnp.argmax(logits, axis=-1)
    action_log_probs = jnp.take_along_axis(logp, actions[:, None], axis=1)
    return (actions, action_log_probs)

if __name__ == "__main__":
    import jax
    _d = setup_inputs()
    print(jax.jit(kernel)(*tuple(_d.values())))

</pallas_src>

<mosaic_0001>
#map = affine_map<(d0, d1) -> (0, 0)>
#map1 = affine_map<(d0, d1) -> (0)>
module attributes {stable_mosaic.version = 14 : i64} {
  func.func @gather_kernel(%arg0: i32, %arg1: i32, %arg2: memref<32768x512xf32, #tpu.memory_space<hbm>>, %arg3: memref<4096xi32, #tpu.memory_space<hbm>>, %arg4: memref<4096x512xf32, #tpu.memory_space<hbm>>, %arg5: memref<128xi32, #tpu.memory_space<vmem>>, %arg6: memref<128x512xf32, #tpu.memory_space<vmem>>, %arg7: memref<!tpu.dma_semaphore, #tpu.memory_space<semaphore_mem>>) attributes {dimension_semantics = [#tpu.dimension_semantics<core_parallel>, #tpu.dimension_semantics<subcore_parallel>], iteration_bounds = array<i64: 2, 16>, scalar_prefetch = 0 : i64, scratch_operands = 3 : i64, tpu.core_type = #tpu.core_type<sc_vector_subcore>, window_params = [{transform_indices = #map}, {transform_indices = #map1}, {transform_indices = #map}]} {
    %mul3A = arith.constant 2 : i32
    %mul3A_0 = arith.muli %arg1, %mul3A : i32
    %add3A = arith.addi %mul3A_0, %arg0 : i32
    %mul3A_1 = arith.constant 128 : i32
    %mul3A_2 = arith.muli %add3A, %mul3A_1 : i32
    "tpu.region"() ({
      %run_scoped3A = tpu.sem_alloc : memref<!tpu.dma_semaphore, #tpu.memory_space<semaphore_mem>>
      %dma_start3A_7 = tpu.memref_slice %arg3[%mul3A_2] : memref<4096xi32, #tpu.memory_space<hbm>> -> memref<128xi32, #tpu.memory_space<hbm>>
      %dma_start3A_8 = tpu.memref_slice %arg3[%mul3A_2] : memref<4096xi32, #tpu.memory_space<hbm>> -> memref<128xi32, #tpu.memory_space<hbm>>
      tpu.enqueue_dma source(%dma_start3A_8 : memref<128xi32, #tpu.memory_space<hbm>>) target(%arg5 : memref<128xi32, #tpu.memory_space<vmem>>) target_semaphore(%run_scoped3A : memref<!tpu.dma_semaphore, #tpu.memory_space<semaphore_mem>>)
      %dma_wait3A_9 = tpu.memref_slice %arg3[%mul3A_2] : memref<4096xi32, #tpu.memory_space<hbm>> -> memref<128xi32, #tpu.memory_space<hbm>>
      %dma_wait3A_10 = tpu.memref_slice %arg3[%mul3A_2] : memref<4096xi32, #tpu.memory_space<hbm>> -> memref<128xi32, #tpu.memory_space<hbm>>
      tpu.wait_dma2 semaphore(%run_scoped3A : memref<!tpu.dma_semaphore, #tpu.memory_space<semaphore_mem>>) src(%dma_wait3A_10 : memref<128xi32, #tpu.memory_space<hbm>>) dst(%arg5 : memref<128xi32, #tpu.memory_space<vmem>>)
      tpu.yield
    }) : () -> ()
    %dma_start3A = arith.constant 0 : i32
    %dma_start3A_3 = arith.constant 0 : i32
    %dma_start3A_4 = tpu.memref_slice %arg2[%dma_start3A, %dma_start3A_3] : memref<32768x512xf32, #tpu.memory_space<hbm>> -> memref<32768x512xf32, #tpu.memory_space<hbm>>
    tpu.enqueue_indirect_dma source(%dma_start3A_4 : memref<32768x512xf32, #tpu.memory_space<hbm>>) target(%arg6 : memref<128x512xf32, #tpu.memory_space<vmem>>) offsets(%arg5 : memref<128xi32, #tpu.memory_space<vmem>>) semaphore(%arg7 : memref<!tpu.dma_semaphore, #tpu.memory_space<semaphore_mem>>)
    %dma_wait3A = arith.constant 0 : i32
    %dma_wait3A_5 = arith.constant 0 : i32
    %dma_wait3A_6 = tpu.memref_slice %arg2[%dma_wait3A, %dma_wait3A_5] : memref<32768x512xf32, #tpu.memory_space<hbm>> -> memref<32768x512xf32, #tpu.memory_space<hbm>>
    tpu.wait_indirect_dma semaphore(%arg7 : memref<!tpu.dma_semaphore, #tpu.memory_space<semaphore_mem>>) src(%dma_wait3A_6 : memref<32768x512xf32, #tpu.memory_space<hbm>>) dst(%arg6 : memref<128x512xf32, #tpu.memory_space<vmem>>)
    "tpu.region"() ({
      %run_scoped3A = tpu.sem_alloc : memref<!tpu.dma_semaphore, #tpu.memory_space<semaphore_mem>>
      %dma_start3A_7 = arith.constant 0 : i32
      %dma_start3A_8 = tpu.memref_slice %arg4[%mul3A_2, %dma_start3A_7] : memref<4096x512xf32, #tpu.memory_space<hbm>> -> memref<128x512xf32, #tpu.memory_space<hbm>>
      %dma_start3A_9 = arith.constant 0 : i32
      %dma_start3A_10 = tpu.memref_slice %arg4[%mul3A_2, %dma_start3A_9] : memref<4096x512xf32, #tpu.memory_space<hbm>> -> memref<128x512xf32, #tpu.memory_space<hbm>>
      tpu.enqueue_dma source(%arg6 : memref<128x512xf32, #tpu.memory_space<vmem>>) target(%dma_start3A_10 : memref<128x512xf32, #tpu.memory_space<hbm>>) target_semaphore(%run_scoped3A : memref<!tpu.dma_semaphore, #tpu.memory_space<semaphore_mem>>)
      %dma_wait3A_11 = arith.constant 0 : i32
      %dma_wait3A_12 = tpu.memref_slice %arg4[%mul3A_2, %dma_wait3A_11] : memref<4096x512xf32, #tpu.memory_space<hbm>> -> memref<128x512xf32, #tpu.memory_space<hbm>>
      %dma_wait3A_13 = arith.constant 0 : i32
      %dma_wait3A_14 = tpu.memref_slice %arg4[%mul3A_2, %dma_wait3A_13] : memref<4096x512xf32, #tpu.memory_space<hbm>> -> memref<128x512xf32, #tpu.memory_space<hbm>>
      tpu.wait_dma2 semaphore(%run_scoped3A : memref<!tpu.dma_semaphore, #tpu.memory_space<semaphore_mem>>) src(%arg6 : memref<128x512xf32, #tpu.memory_space<vmem>>) dst(%dma_wait3A_14 : memref<128x512xf32, #tpu.memory_space<hbm>>)
      tpu.yield
    }) : () -> ()
    return
  }
}

module attributes {stable_mosaic.version = 14 : i64} {
  func.func @_tc_body(%arg0: i32, %arg1: memref<64x128xf32, #tpu.memory_space<vmem>>, %arg2: memref<64x64x128xf32, #tpu.memory_space<vmem>>, %arg3: memref<64x8x64xf32, #tpu.memory_space<vmem>>, %arg4: memref<64x8xf32, #tpu.memory_space<vmem>>, %arg5: memref<128x64xf32, #tpu.memory_space<vmem>>, %arg6: memref<1x64xf32, #tpu.memory_space<vmem>>, %arg7: memref<64x64xf32, #tpu.memory_space<vmem>>, %arg8: memref<1x64xf32, #tpu.memory_space<vmem>>, %arg9: memref<128x64xf32, #tpu.memory_space<vmem>>, %arg10: memref<64x64xf32, #tpu.memory_space<vmem>>, %arg11: memref<1x64xf32, #tpu.memory_space<vmem>>, %arg12: memref<64x64xf32, #tpu.memory_space<vmem>>, %arg13: memref<1x64xf32, #tpu.memory_space<vmem>>, %arg14: memref<64x128xf32, #tpu.memory_space<vmem>>, %arg15: memref<1x128xf32, #tpu.memory_space<vmem>>, %arg16: memref<1x1x64xi32, #tpu.memory_space<vmem>>, %arg17: memref<1x1x64xf32, #tpu.memory_space<vmem>>) attributes {dimension_semantics = [#tpu.dimension_semantics<arbitrary>], iteration_bounds = array<i64: 64>, scalar_prefetch = 0 : i64, scratch_operands = 0 : i64, tpu.core_type = #tpu.core_type<tc>, window_params = [{transform_indices = @transform_0, window_bounds = array<i64: 64, 128>}, {transform_indices = @transform_1, window_bounds = array<i64: 64, 64, 128>}, {transform_indices = @transform_2, window_bounds = array<i64: 64, 8, 64>}, {transform_indices = @transform_3, window_bounds = array<i64: 64, 8>}, {pipeline_mode = #tpu.pipeline_mode<synchronous>, transform_indices = @transform_4, window_bounds = array<i64: 128, 64>}, {pipeline_mode = #tpu.pipeline_mode<synchronous>, transform_indices = @transform_5, window_bounds = array<i64: 1, 64>}, {pipeline_mode = #tpu.pipeline_mode<synchronous>, transform_indices = @transform_6, window_bounds = array<i64: 64, 64>}, {pipeline_mode = #tpu.pipeline_mode<synchronous>, transform_indices = @transform_7, window_bounds = array<i64: 1, 64>}, {pipeline_mode = #tpu.pipeline_mode<synchronous>, transform_indices = @transform_8, window_bounds = array<i64: 128, 64>}, {pipeline_mode = #tpu.pipeline_mode<synchronous>, transform_indices = @transform_9, window_bounds = array<i64: 64, 64>}, {pipeline_mode = #tpu.pipeline_mode<synchronous>, transform_indices = @transform_10, window_bounds = array<i64: 1, 64>}, {pipeline_mode = #tpu.pipeline_mode<synchronous>, transform_indices = @transform_11, window_bounds = array<i64: 64, 64>}, {pipeline_mode = #tpu.pipeline_mode<synchronous>, transform_indices = @transform_12, window_bounds = array<i64: 1, 64>}, {pipeline_mode = #tpu.pipeline_mode<synchronous>, transform_indices = @transform_13, window_bounds = array<i64: 64, 128>}, {pipeline_mode = #tpu.pipeline_mode<synchronous>, transform_indices = @transform_14, window_bounds = array<i64: 1, 128>}, {transform_indices = @transform_15, window_bounds = array<i64: 1, 1, 64>}, {transform_indices = @transform_16, window_bounds = array<i64: 1, 1, 64>}]} {
    %get3A = arith.constant 0 : index
    %get3A_0 = arith.constant 0 : index
    %get3A_1 = arith.constant 0 : index
    %get3A_2 = vector.load %arg2[%get3A, %get3A_0, %get3A_1] : memref<64x64x128xf32, #tpu.memory_space<vmem>>, vector<64x64x128xf32>
    %reshape3A = vector.shape_cast %get3A_2 : vector<64x64x128xf32> to vector<4096x128xf32>
    %get3A_3 = arith.constant 0 : index
    %get3A_4 = arith.constant 0 : index
    %get3A_5 = vector.load %arg5[%get3A_3, %get3A_4] : memref<128x64xf32, #tpu.memory_space<vmem>>, vector<128x64xf32>
    %dot_general3A = arith.constant dense<0.000000e+00> : vector<4096x64xf32>
    %dot_general3A_6 = tpu.matmul %reshape3A, %get3A_5, %dot_general3A {dimension_numbers = #tpu.dot_dimension_numbers<[1], [0], [0], [1], [0, 0, 1, 1], [], []>, transpose_lhs_hint = false} : vector<4096x128xf32>, vector<128x64xf32>, vector<4096x64xf32> -> vector<4096x64xf32>
    %get3A_7 = arith.constant 0 : index
    %get3A_8 = arith.constant 0 : index
    %get3A_9 = vector.load %arg6[%get3A_7, %get3A_8] : memref<1x64xf32, #tpu.memory_space<vmem>>, vector<1x64xf32>
    %add3A = vector.broadcast %get3A_9 : vector<1x64xf32> to vector<4096x64xf32>
    %add3A_10 = arith.addf %dot_general3A_6, %add3A : vector<4096x64xf32>
    %max3A = arith.constant 0.000000e+00 : f32
    %max3A_11 = vector.broadcast %max3A : f32 to vector<4096x64xf32>
    %max3A_12 = arith.maximumf %add3A_10, %max3A_11 : vector<4096x64xf32>
    %broadcast_in_dim3A = arith.constant 0.000000e+00 : f32
    %broadcast_in_dim3A_13 = vector.broadcast %broadcast_in_dim3A : f32 to vector<64x64xf32>
    %get3A_14 = arith.constant 0 : index
    %get3A_15 = arith.constant 0 : index
    %get3A_16 = vector.load %arg4[%get3A_14, %get3A_15] : memref<64x8xf32, #tpu.memory_space<vmem>>, vector<64x1xf32>
    %get3A_17 = arith.constant 0 : index
    %get3A_18 = arith.constant 0 : index
    %get3A_19 = arith.constant 0 : index
    %get3A_20 = vector.load %arg3[%get3A_17, %get3A_18, %get3A_19] : memref<64x8x64xf32, #tpu.memory_space<vmem>>, vector<64x1x64xf32>
    %get3A_21 = vector.shape_cast %get3A_20 : vector<64x1x64xf32> to vector<64x64xf32>
    %mul3A = vector.broadcast %get3A_16 : vector<64x1xf32> to vector<64x64xf32>
    %mul3A_22 = arith.mulf %mul3A, %get3A_21 : vector<64x64xf32>
    %add3A_23 = arith.addf %broadcast_in_dim3A_13, %mul3A_22 : vector<64x64xf32>
    %get3A_24 = arith.constant 0 : index
    %get3A_25 = arith.constant 1 : index
    %get3A_26 = vector.load %arg4[%get3A_24, %get3A_25] : memref<64x8xf32, #tpu.memory_space<vmem>>, vector<64x1xf32>
    %get3A_27 = arith.constant 0 : index
    %get3A_28 = arith.constant 1 : index
    %get3A_29 = arith.constant 0 : index
    %get3A_30 = vector.load %arg3[%get3A_27, %get3A_28, %get3A_29] : memref<64x8x64xf32, #tpu.memory_space<vmem>>, vector<64x1x64xf32>
    %get3A_31 = vector.shape_cast %get3A_30 : vector<64x1x64xf32> to vector<64x64xf32>
    %mul3A_32 = vector.broadcast %get3A_26 : vector<64x1xf32> to vector<64x64xf32>
    %mul3A_33 = arith.mulf %mul3A_32, %get3A_31 : vector<64x64xf32>
    %add3A_34 = arith.addf %add3A_23, %mul3A_33 : vector<64x64xf32>
    %get3A_35 = arith.constant 0 : index
    %get3A_36 = arith.constant 2 : index
    %get3A_37 = vector.load %arg4[%get3A_35, %get3A_36] : memref<64x8xf32, #tpu.memory_space<vmem>>, vector<64x1xf32>
    %get3A_38 = arith.constant 0 : index
    %get3A_39 = arith.constant 2 : index
    %get3A_40 = arith.constant 0 : index
    %get3A_41 = vector.load %arg3[%get3A_38, %get3A_39, %get3A_40] : memref<64x8x64xf32, #tpu.memory_space<vmem>>, vector<64x1x64xf32>
    %get3A_42 = vector.shape_cast %get3A_41 : vector<64x1x64xf32> to vector<64x64xf32>
    %mul3A_43 = vector.broadcast %get3A_37 : vector<64x1xf32> to vector<64x64xf32>
    %mul3A_44 = arith.mulf %mul3A_43, %get3A_42 : vector<64x64xf32>
    %add3A_45 = arith.addf %add3A_34, %mul3A_44 : vector<64x64xf32>
    %get3A_46 = arith.constant 0 : index
    %get3A_47 = arith.constant 3 : index
    %get3A_48 = vector.load %arg4[%get3A_46, %get3A_47] : memref<64x8xf32, #tpu.memory_space<vmem>>, vector<64x1xf32>
    %get3A_49 = arith.constant 0 : index
    %get3A_50 = arith.constant 3 : index
    %get3A_51 = arith.constant 0 : index
    %get3A_52 = vector.load %arg3[%get3A_49, %get3A_50, %get3A_51] : memref<64x8x64xf32, #tpu.memory_space<vmem>>, vector<64x1x64xf32>
    %get3A_53 = vector.shape_cast %get3A_52 : vector<64x1x64xf32> to vector<64x64xf32>
    %mul3A_54 = vector.broadcast %get3A_48 : vector<64x1xf32> to vector<64x64xf32>
    %mul3A_55 = arith.mulf %mul3A_54, %get3A_53 : vector<64x64xf32>
    %add3A_56 = arith.addf %add3A_45, %mul3A_55 : vector<64x64xf32>
    %get3A_57 = arith.constant 0 : index
    %get3A_58 = arith.constant 4 : index
    %get3A_59 = vector.load %arg4[%get3A_57, %get3A_58] : memref<64x8xf32, #tpu.memory_space<vmem>>, vector<64x1xf32>
    %get3A_60 = arith.constant 0 : index
    %get3A_61 = arith.constant 4 : index
    %get3A_62 = arith.constant 0 : index
    %get3A_63 = vector.load %arg3[%get3A_60, %get3A_61, %get3A_62] : memref<64x8x64xf32, #tpu.memory_space<vmem>>, vector<64x1x64xf32>
    %get3A_64 = vector.shape_cast %get3A_63 : vector<64x1x64xf32> to vector<64x64xf32>
    %mul3A_65 = vector.broadcast %get3A_59 : vector<64x1xf32> to vector<64x64xf32>
    %mul3A_66 = arith.mulf %mul3A_65, %get3A_64 : vector<64x64xf32>
    %add3A_67 = arith.addf %add3A_56, %mul3A_66 : vector<64x64xf32>
    %get3A_68 = arith.constant 0 : index
    %get3A_69 = arith.constant 5 : index
    %get3A_70 = vector.load %arg4[%get3A_68, %get3A_69] : memref<64x8xf32, #tpu.memory_space<vmem>>, vector<64x1xf32>
    %get3A_71 = arith.constant 0 : index
    %get3A_72 = arith.constant 5 : index
    %get3A_73 = arith.constant 0 : index
    %get3A_74 = vector.load %arg3[%get3A_71, %get3A_72, %get3A_73] : memref<64x8x64xf32, #tpu.memory_space<vmem>>, vector<64x1x64xf32>
    %get3A_75 = vector.shape_cast %get3A_74 : vector<64x1x64xf32> to vector<64x64xf32>
    %mul3A_76 = vector.broadcast %get3A_70 : vector<64x1xf32> to vector<64x64xf32>
    %mul3A_77 = arith.mulf %mul3A_76, %get3A_75 : vector<64x64xf32>
    %add3A_78 = arith.addf %add3A_67, %mul3A_77 : vector<64x64xf32>
    %get3A_79 = arith.constant 0 : index
    %get3A_80 = arith.constant 6 : index
    %get3A_81 = vector.load %arg4[%get3A_79, %get3A_80] : memref<64x8xf32, #tpu.memory_space<vmem>>, vector<64x1xf32>
    %get3A_82 = arith.constant 0 : index
    %get3A_83 = arith.constant 6 : index
    %get3A_84 = arith.constant 0 : index
    %get3A_85 = vector.load %arg3[%get3A_82, %get3A_83, %get3A_84] : memref<64x8x64xf32, #tpu.memory_space<vmem>>, vector<64x1x64xf32>
    %get3A_86 = vector.shape_cast %get3A_85 : vector<64x1x64xf32> to vector<64x64xf32>
    %mul3A_87 = vector.broadcast %get3A_81 : vector<64x1xf32> to vector<64x64xf32>
    %mul3A_88 = arith.mulf %mul3A_87, %get3A_86 : vector<64x64xf32>
    %add3A_89 = arith.addf %add3A_78, %mul3A_88 : vector<64x64xf32>
    %get3A_90 = arith.constant 0 : index
    %get3A_91 = arith.constant 7 : index
    %get3A_92 = vector.load %arg4[%get3A_90, %get3A_91] : memref<64x8xf32, #tpu.memory_space<vmem>>, vector<64x1xf32>
    %get3A_93 = arith.constant 0 : index
    %get3A_94 = arith.constant 7 : index
    %get3A_95 = arith.constant 0 : index
    %get3A_96 = vector.load %arg3[%get3A_93, %get3A_94, %get3A_95] : memref<64x8x64xf32, #tpu.memory_space<vmem>>, vector<64x1x64xf32>
    %get3A_97 = vector.shape_cast %get3A_96 : vector<64x1x64xf32> to vector<64x64xf32>
    %mul3A_98 = vector.broadcast %get3A_92 : vector<64x1xf32> to vector<64x64xf32>
    %mul3A_99 = arith.mulf %mul3A_98, %get3A_97 : vector<64x64xf32>
    %add3A_100 = arith.addf %add3A_89, %mul3A_99 : vector<64x64xf32>
    %lt3A = arith.constant 3.000000e-01 : f32
    %lt3A_101 = vector.broadcast %lt3A : f32 to vector<64x64xf32>
    %lt3A_102 = arith.cmpf olt, %add3A_100, %lt3A_101 : vector<64x64xf32>
    %convert_element_type3A = arith.extui %lt3A_102 : vector<64x64xi1> to vector<64x64xi32>
    %convert_element_type3A_103 = arith.sitofp %convert_element_type3A : vector<64x64xi32> to vector<64x64xf32>
    %reduce_sum3A = arith.constant dense<0.000000e+00> : vector<64xf32>
    %reduce_sum3A_104 = vector.multi_reduction <add>, %convert_element_type3A_103, %reduce_sum3A [1] : vector<64x64xf32> to vector<64xf32>
    %broadcast_in_dim3A_105 = vector.shape_cast %reduce_sum3A_104 : vector<64xf32> to vector<64x1xf32>
    %max3A_106 = arith.constant 1.000000e+00 : f32
    %max3A_107 = vector.broadcast %max3A_106 : f32 to vector<64x1xf32>
    %max3A_108 = arith.maximumf %broadcast_in_dim3A_105, %max3A_107 : vector<64x1xf32>
    %iota3A = tpu.iota {dimensions = array<i32: 0>} : vector<64x4096xi32>
    %iota3A_109 = tpu.iota {dimensions = array<i32: 1>} : vector<64x4096xi32>
    %jit3A = arith.constant 64 : i32
    %div3A = vector.broadcast %jit3A : i32 to vector<64x4096xi32>
    %div3A_110 = arith.divsi %iota3A_109, %div3A : vector<64x4096xi32>
    %sign3A = arith.constant 0 : i32
    %sign3A_111 = vector.broadcast %sign3A : i32 to vector<64x4096xi32>
    %sign3A_112 = arith.cmpi sgt, %iota3A_109, %sign3A_111 : vector<64x4096xi32>
    %sign3A_113 = arith.extui %sign3A_112 : vector<64x4096xi1> to vector<64x4096xi32>
    %sign3A_114 = arith.constant 0 : i32
    %sign3A_115 = vector.broadcast %sign3A_114 : i32 to vector<64x4096xi32>
    %sign3A_116 = arith.cmpi slt, %iota3A_109, %sign3A_115 : vector<64x4096xi32>
    %sign3A_117 = arith.extui %sign3A_116 : vector<64x4096xi1> to vector<64x4096xi32>
    %sign3A_118 = arith.subi %sign3A_113, %sign3A_117 : vector<64x4096xi32>
    %sign3A_119 = arith.constant 0 : i32
    %sign3A_120 = arith.cmpi sgt, %jit3A, %sign3A_119 : i32
    %sign3A_121 = arith.extui %sign3A_120 : i1 to i32
    %sign3A_122 = arith.constant 0 : i32
    %sign3A_123 = arith.cmpi slt, %jit3A, %sign3A_122 : i32
    %sign3A_124 = arith.extui %sign3A_123 : i1 to i32
    %sign3A_125 = arith.subi %sign3A_121, %sign3A_124 : i32
    %ne3A = vector.broadcast %sign3A_125 : i32 to vector<64x4096xi32>
    %ne3A_126 = arith.cmpi ne, %sign3A_118, %ne3A : vector<64x4096xi32>
    %rem3A = vector.broadcast %jit3A : i32 to vector<64x4096xi32>
    %rem3A_127 = arith.remsi %iota3A_109, %rem3A : vector<64x4096xi32>
    %ne3A_128 = arith.constant 0 : i32
    %ne3A_129 = vector.broadcast %ne3A_128 : i32 to vector<64x4096xi32>
    %ne3A_130 = arith.cmpi ne, %rem3A_127, %ne3A_129 : vector<64x4096xi32>
    %and3A = arith.andi %ne3A_126, %ne3A_130 : vector<64x4096xi1>
    %sub3A = arith.constant 1 : i32
    %sub3A_131 = vector.broadcast %sub3A : i32 to vector<64x4096xi32>
    %sub3A_132 = arith.subi %div3A_110, %sub3A_131 : vector<64x4096xi32>
    %select_n3A = arith.select %and3A, %sub3A_132, %div3A_110 : vector<64x4096xi1>, vector<64x4096xi32>
    %broadcast_in_dim3A_133 = vector.shape_cast %convert_element_type3A_103 : vector<64x64xf32> to vector<64x1x64xf32>
    %broadcast_in_dim3A_134 = vector.shape_cast %broadcast_in_dim3A_133 : vector<64x1x64xf32> to vector<64x1x64xf32>
    %broadcast_in_dim3A_135 = vector.broadcast %broadcast_in_dim3A_134 : vector<64x1x64xf32> to vector<64x64x64xf32>
    %reshape3A_136 = vector.shape_cast %broadcast_in_dim3A_135 : vector<64x64x64xf32> to vector<64x4096xf32>
    %eq3A = arith.cmpi eq, %iota3A, %select_n3A : vector<64x4096xi32>
    %jit3A_137 = arith.constant 0.000000e+00 : f32
    %broadcast_in_dim3A_138 = vector.broadcast %jit3A_137 : f32 to vector<64x4096xf32>
    %select_n3A_139 = arith.select %eq3A, %reshape3A_136, %broadcast_in_dim3A_138 : vector<64x4096xi1>, vector<64x4096xf32>
    %dot_general3A_140 = arith.constant dense<0.000000e+00> : vector<64x64xf32>
    %dot_general3A_141 = tpu.matmul %select_n3A_139, %max3A_12, %dot_general3A_140 {dimension_numbers = #tpu.dot_dimension_numbers<[1], [0], [0], [1], [0, 0, 1, 1], [], []>, transpose_lhs_hint = false} : vector<64x4096xf32>, vector<4096x64xf32>, vector<64x64xf32> -> vector<64x64xf32>
    %div3A_142 = vector.broadcast %max3A_108 : vector<64x1xf32> to vector<64x64xf32>
    %div3A_143 = arith.divf %dot_general3A_141, %div3A_142 : vector<64x64xf32>
    %get3A_144 = arith.constant 0 : index
    %get3A_145 = arith.constant 0 : index
    %get3A_146 = vector.load %arg7[%get3A_144, %get3A_145] : memref<64x64xf32, #tpu.memory_space<vmem>>, vector<64x64xf32>
    %dot_general3A_147 = arith.constant dense<0.000000e+00> : vector<64x64xf32>
    %dot_general3A_148 = tpu.matmul %div3A_143, %get3A_146, %dot_general3A_147 {dimension_numbers = #tpu.dot_dimension_numbers<[1], [0], [0], [1], [0, 0, 1, 1], [], []>, transpose_lhs_hint = false} : vector<64x64xf32>, vector<64x64xf32>, vector<64x64xf32> -> vector<64x64xf32>
    %get3A_149 = arith.constant 0 : index
    %get3A_150 = arith.constant 0 : index
    %get3A_151 = vector.load %arg8[%get3A_149, %get3A_150] : memref<1x64xf32, #tpu.memory_space<vmem>>, vector<1x64xf32>
    %add3A_152 = vector.broadcast %get3A_151 : vector<1x64xf32> to vector<64x64xf32>
    %add3A_153 = arith.addf %dot_general3A_148, %add3A_152 : vector<64x64xf32>
    %max3A_154 = arith.constant 0.000000e+00 : f32
    %max3A_155 = vector.broadcast %max3A_154 : f32 to vector<64x64xf32>
    %max3A_156 = arith.maximumf %add3A_153, %max3A_155 : vector<64x64xf32>
    %get3A_157 = arith.constant 0 : index
    %get3A_158 = arith.constant 0 : index
    %get3A_159 = vector.load %arg1[%get3A_157, %get3A_158] : memref<64x128xf32, #tpu.memory_space<vmem>>, vector<64x128xf32>
    %get3A_160 = arith.constant 0 : index
    %get3A_161 = arith.constant 0 : index
    %get3A_162 = vector.load %arg9[%get3A_160, %get3A_161] : memref<128x64xf32, #tpu.memory_space<vmem>>, vector<128x64xf32>
    %dot_general3A_163 = arith.constant dense<0.000000e+00> : vector<64x64xf32>
    %dot_general3A_164 = tpu.matmul %get3A_159, %get3A_162, %dot_general3A_163 {dimension_numbers = #tpu.dot_dimension_numbers<[1], [0], [0], [1], [0, 0, 1, 1], [], []>, transpose_lhs_hint = false} : vector<64x128xf32>, vector<128x64xf32>, vector<64x64xf32> -> vector<64x64xf32>
    %get3A_165 = arith.constant 0 : index
    %get3A_166 = arith.constant 0 : index
    %get3A_167 = vector.load %arg10[%get3A_165, %get3A_166] : memref<64x64xf32, #tpu.memory_space<vmem>>, vector<64x64xf32>
    %dot_general3A_168 = arith.constant dense<0.000000e+00> : vector<64x64xf32>
    %dot_general3A_169 = tpu.matmul %max3A_156, %get3A_167, %dot_general3A_168 {dimension_numbers = #tpu.dot_dimension_numbers<[1], [0], [0], [1], [0, 0, 1, 1], [], []>, transpose_lhs_hint = false} : vector<64x64xf32>, vector<64x64xf32>, vector<64x64xf32> -> vector<64x64xf32>
    %add3A_170 = arith.addf %dot_general3A_164, %dot_general3A_169 : vector<64x64xf32>
    %get3A_171 = arith.constant 0 : index
    %get3A_172 = arith.constant 0 : index
    %get3A_173 = vector.load %arg11[%get3A_171, %get3A_172] : memref<1x64xf32, #tpu.memory_space<vmem>>, vector<1x64xf32>
    %add3A_174 = vector.broadcast %get3A_173 : vector<1x64xf32> to vector<64x64xf32>
    %add3A_175 = arith.addf %add3A_170, %add3A_174 : vector<64x64xf32>
    %max3A_176 = arith.constant 0.000000e+00 : f32
    %max3A_177 = vector.broadcast %max3A_176 : f32 to vector<64x64xf32>
    %max3A_178 = arith.maximumf %add3A_175, %max3A_177 : vector<64x64xf32>
    %get3A_179 = arith.constant 0 : index
    %get3A_180 = arith.constant 0 : index
    %get3A_181 = vector.load %arg12[%get3A_179, %get3A_180] : memref<64x64xf32, #tpu.memory_space<vmem>>, vector<64x64xf32>
    %dot_general3A_182 = arith.constant dense<0.000000e+00> : vector<64x64xf32>
    %dot_general3A_183 = tpu.matmul %max3A_178, %get3A_181, %dot_general3A_182 {dimension_numbers = #tpu.dot_dimension_numbers<[1], [0], [0], [1], [0, 0, 1, 1], [], []>, transpose_lhs_hint = false} : vector<64x64xf32>, vector<64x64xf32>, vector<64x64xf32> -> vector<64x64xf32>
    %get3A_184 = arith.constant 0 : index
    %get3A_185 = arith.constant 0 : index
    %get3A_186 = vector.load %arg13[%get3A_184, %get3A_185] : memref<1x64xf32, #tpu.memory_space<vmem>>, vector<1x64xf32>
    %add3A_187 = vector.broadcast %get3A_186 : vector<1x64xf32> to vector<64x64xf32>
    %add3A_188 = arith.addf %dot_general3A_183, %add3A_187 : vector<64x64xf32>
    %max3A_189 = arith.constant 0.000000e+00 : f32
    %max3A_190 = vector.broadcast %max3A_189 : f32 to vector<64x64xf32>
    %max3A_191 = arith.maximumf %add3A_188, %max3A_190 : vector<64x64xf32>
    %get3A_192 = arith.constant 0 : index
    %get3A_193 = arith.constant 0 : index
    %get3A_194 = vector.load %arg14[%get3A_192, %get3A_193] : memref<64x128xf32, #tpu.memory_space<vmem>>, vector<64x128xf32>
    %dot_general3A_195 = arith.constant dense<0.000000e+00> : vector<64x128xf32>
    %dot_general3A_196 = tpu.matmul %max3A_191, %get3A_194, %dot_general3A_195 {dimension_numbers = #tpu.dot_dimension_numbers<[1], [0], [0], [1], [0, 0, 1, 1], [], []>, transpose_lhs_hint = false} : vector<64x64xf32>, vector<64x128xf32>, vector<64x128xf32> -> vector<64x128xf32>
    %get3A_197 = arith.constant 0 : index
    %get3A_198 = arith.constant 0 : index
    %get3A_199 = vector.load %arg15[%get3A_197, %get3A_198] : memref<1x128xf32, #tpu.memory_space<vmem>>, vector<1x128xf32>
    %add3A_200 = vector.broadcast %get3A_199 : vector<1x128xf32> to vector<64x128xf32>
    %add3A_201 = arith.addf %dot_general3A_196, %add3A_200 : vector<64x128xf32>
    %iota3A_202 = tpu.iota {dimensions = array<i32: 1>} : vector<64x128xi32>
    %lt3A_203 = arith.constant 5 : i32
    %lt3A_204 = vector.broadcast %lt3A_203 : i32 to vector<64x128xi32>
    %lt3A_205 = arith.cmpi slt, %iota3A_202, %lt3A_204 : vector<64x128xi32>
    %jit3A_206 = arith.constant -1.000000e+30 : f32
    %broadcast_in_dim3A_207 = vector.broadcast %jit3A_206 : f32 to vector<64x128xf32>
    %select_n3A_208 = arith.select %lt3A_205, %add3A_201, %broadcast_in_dim3A_207 : vector<64x128xi1>, vector<64x128xf32>
    %reduce_max3A = arith.constant dense<0xFF800000> : vector<64xf32>
    %reduce_max3A_209 = vector.multi_reduction <maximumf>, %select_n3A_208, %reduce_max3A [1] : vector<64x128xf32> to vector<64xf32>
    %broadcast_in_dim3A_210 = vector.shape_cast %reduce_max3A_209 : vector<64xf32> to vector<64x1xf32>
    %eq3A_211 = vector.broadcast %broadcast_in_dim3A_210 : vector<64x1xf32> to vector<64x128xf32>
    %eq3A_212 = arith.cmpf oeq, %select_n3A_208, %eq3A_211 : vector<64x128xf32>
    %jit3A_213 = arith.constant 128 : i32
    %broadcast_in_dim3A_214 = vector.broadcast %jit3A_213 : i32 to vector<64x128xi32>
    %select_n3A_215 = arith.select %eq3A_212, %iota3A_202, %broadcast_in_dim3A_214 : vector<64x128xi1>, vector<64x128xi32>
    %reduce_min3A = arith.constant dense<2147483647> : vector<64xi32>
    %reduce_min3A_216 = vector.multi_reduction <minsi>, %select_n3A_215, %reduce_min3A [1] : vector<64x128xi32> to vector<64xi32>
    %sub3A_217 = vector.broadcast %broadcast_in_dim3A_210 : vector<64x1xf32> to vector<64x128xf32>
    %sub3A_218 = arith.subf %select_n3A_208, %sub3A_217 : vector<64x128xf32>
    %exp3A = math.exp %sub3A_218 : vector<64x128xf32>
    %reduce_sum3A_219 = arith.constant dense<0.000000e+00> : vector<64xf32>
    %reduce_sum3A_220 = vector.multi_reduction <add>, %exp3A, %reduce_sum3A_219 [1] : vector<64x128xf32> to vector<64xf32>
    %log3A = math.log %reduce_sum3A_220 : vector<64xf32>
    %neg3A = arith.constant 0.000000e+00 : f32
    %neg3A_221 = vector.broadcast %neg3A : f32 to vector<64xf32>
    %neg3A_222 = arith.subf %neg3A_221, %log3A : vector<64xf32>
    %reshape3A_223 = vector.shape_cast %reduce_min3A_216 : vector<64xi32> to vector<1x1x64xi32>
    %swap3A = arith.constant 0 : index
    %swap3A_224 = arith.constant 0 : index
    %swap3A_225 = arith.constant 0 : index
    %swap3A_226 = vector.load %arg16[%swap3A, %swap3A_224, %swap3A_225] : memref<1x1x64xi32, #tpu.memory_space<vmem>>, vector<1x1x64xi32>
    tpu.vector_store %arg16[%swap3A, %swap3A_224, %swap3A_225], %reshape3A_223 {strides = array<i32>} : memref<1x1x64xi32, #tpu.memory_space<vmem>>, vector<1x1x64xi32>,
    %reshape3A_227 = vector.shape_cast %neg3A_222 : vector<64xf32> to vector<1x1x64xf32>
    %swap3A_228 = arith.constant 0 : index
    %swap3A_229 = arith.constant 0 : index
    %swap3A_230 = arith.constant 0 : index
    %swap3A_231 = vector.load %arg17[%swap3A_228, %swap3A_229, %swap3A_230] : memref<1x1x64xf32, #tpu.memory_space<vmem>>, vector<1x1x64xf32>
    tpu.vector_store %arg17[%swap3A_228, %swap3A_229, %swap3A_230], %reshape3A_227 {strides = array<i32>} : memref<1x1x64xf32, #tpu.memory_space<vmem>>, vector<1x1x64xf32>,
    return
  }
  func.func @transform_0(%arg0: i32) -> (i32, i32) {
    %c0_i32 = arith.constant 0 : i32
    %c0_i32_0 = arith.constant 0 : i32
    return %arg0, %c0_i32 : i32, i32
  }
  func.func @transform_1(%arg0: i32) -> (i32, i32, i32) {
    %c0_i32 = arith.constant 0 : i32
    %c0_i32_0 = arith.constant 0 : i32
    %c0_i32_1 = arith.constant 0 : i32
    return %arg0, %c0_i32, %c0_i32_0 : i32, i32, i32
  }
  func.func @transform_2(%arg0: i32) -> (i32, i32, i32) {
    %c0_i32 = arith.constant 0 : i32
    %c0_i32_0 = arith.constant 0 : i32
    %c0_i32_1 = arith.constant 0 : i32
    return %arg0, %c0_i32, %c0_i32_0 : i32, i32, i32
  }
  func.func @transform_3(%arg0: i32) -> (i32, i32) {
    %c0_i32 = arith.constant 0 : i32
    %c0_i32_0 = arith.constant 0 : i32
    return %arg0, %c0_i32 : i32, i32
  }
  func.func @transform_4(%arg0: i32) -> (i32, i32) {
    %c0_i32 = arith.constant 0 : i32
    %c0_i32_0 = arith.constant 0 : i32
    %c0_i32_1 = arith.constant 0 : i32
    return %c0_i32, %c0_i32_0 : i32, i32
  }
  func.func @transform_5(%arg0: i32) -> (i32, i32) {
    %c0_i32 = arith.constant 0 : i32
    %c0_i32_0 = arith.constant 0 : i32
    %c0_i32_1 = arith.constant 0 : i32
    return %c0_i32, %c0_i32_0 : i32, i32
  }
  func.func @transform_6(%arg0: i32) -> (i32, i32) {
    %c0_i32 = arith.constant 0 : i32
    %c0_i32_0 = arith.constant 0 : i32
    %c0_i32_1 = arith.constant 0 : i32
    return %c0_i32, %c0_i32_0 : i32, i32
  }
  func.func @transform_7(%arg0: i32) -> (i32, i32) {
    %c0_i32 = arith.constant 0 : i32
    %c0_i32_0 = arith.constant 0 : i32
    %c0_i32_1 = arith.constant 0 : i32
    return %c0_i32, %c0_i32_0 : i32, i32
  }
  func.func @transform_8(%arg0: i32) -> (i32, i32) {
    %c0_i32 = arith.constant 0 : i32
    %c0_i32_0 = arith.constant 0 : i32
    %c0_i32_1 = arith.constant 0 : i32
    return %c0_i32, %c0_i32_0 : i32, i32
  }
  func.func @transform_9(%arg0: i32) -> (i32, i32) {
    %c0_i32 = arith.constant 0 : i32
    %c0_i32_0 = arith.constant 0 : i32
    %c0_i32_1 = arith.constant 0 : i32
    return %c0_i32, %c0_i32_0 : i32, i32
  }
  func.func @transform_10(%arg0: i32) -> (i32, i32) {
    %c0_i32 = arith.constant 0 : i32
    %c0_i32_0 = arith.constant 0 : i32
    %c0_i32_1 = arith.constant 0 : i32
    return %c0_i32, %c0_i32_0 : i32, i32
  }
  func.func @transform_11(%arg0: i32) -> (i32, i32) {
    %c0_i32 = arith.constant 0 : i32
    %c0_i32_0 = arith.constant 0 : i32
    %c0_i32_1 = arith.constant 0 : i32
    return %c0_i32, %c0_i32_0 : i32, i32
  }
  func.func @transform_12(%arg0: i32) -> (i32, i32) {
    %c0_i32 = arith.constant 0 : i32
    %c0_i32_0 = arith.constant 0 : i32
    %c0_i32_1 = arith.constant 0 : i32
    return %c0_i32, %c0_i32_0 : i32, i32
  }
  func.func @transform_13(%arg0: i32) -> (i32, i32) {
    %c0_i32 = arith.constant 0 : i32
    %c0_i32_0 = arith.constant 0 : i32
    %c0_i32_1 = arith.constant 0 : i32
    return %c0_i32, %c0_i32_0 : i32, i32
  }
  func.func @transform_14(%arg0: i32) -> (i32, i32) {
    %c0_i32 = arith.constant 0 : i32
    %c0_i32_0 = arith.constant 0 : i32
    %c0_i32_1 = arith.constant 0 : i32
    return %c0_i32, %c0_i32_0 : i32, i32
  }
  func.func @transform_15(%arg0: i32) -> (i32, i32, i32) {
    %c0_i32 = arith.constant 0 : i32
    %c0_i32_0 = arith.constant 0 : i32
    %c0_i32_1 = arith.constant 0 : i32
    return %arg0, %c0_i32, %c0_i32_0 : i32, i32, i32
  }
  func.func @transform_16(%arg0: i32) -> (i32, i32, i32) {
    %c0_i32 = arith.constant 0 : i32
    %c0_i32_0 = arith.constant 0 : i32
    %c0_i32_1 = arith.constant 0 : i32
    return %arg0, %c0_i32, %c0_i32_0 : i32, i32, i32
  }
}

</mosaic_0001>

<sc_bundles>
// kernel: kernel.4.cloned.1.call-start
scs
__scs_entry_jumppad:
0x0: {  	(pc) =	sbr.rel $0x88, $3  }
0x1: {  	(tag) =	ssettag $0x0;
	lr =	simm.s32 $0x1  }
0x2: {  	[smem:$0x3F93] =	sst lr;
	_ =	strace $0xD0000000  }
0x3: {  	_ = 	snop  }
0x4: {  	_ = 	snop  }
0x5: {  	_ = 	snop  }
0x6: {  	_ = 	snop  }
0x7: {  	_ = 	snop  }
__scs_overlays_trampoline_lowered:
0x8: {  	[smem:$0x3FA2] =	sst s0  }
0x9: {  	[smem:$0x3FA3] =	sst s1  }
0xa: {  	[smem:$0x3FA4] =	sst s2  }
0xb: {  	[smem:$0x3FA5] =	sst s3  }
0xc: {  	[smem:$0x3FA6] =	sst s4  }
0xd: {  	[smem:$0x3FA7] =	sst s5  }
0xe: {  	[smem:$0x3FA8] =	sst s6  }
0xf: {  	[smem:$0x3FA9] =	sst s7  }
0x10: {  	[smem:$0x3FAA] =	sst s8  }
0x11: {  	[smem:$0x3FAB] =	sst s9;
	s0 =	simm.s32 @!p0 $0x0  }
0x12: {  	s1 =	sld [smem:$0x3F91];
	s0 =	simm.s32 @p0 $0x1  }
0x13: {  	[smem:$0x3FAC] =	sst s0;
	s0 =	simm.s32 @!p1 $0x0  }
0x14: {  	s2 =	sld [smem:$0x3F90];
	s0 =	simm.s32 @p1 $0x1  }
0x15: {  	[smem:$0x3FAD] =	sst s0;
	s0 =	simm.s32 @!p2 $0x0  }
0x16: {  	s3 =	sld [smem:$0x3FDB];
	s0 =	simm.s32 @p2 $0x1  }
0x17: {  	s4 =	simm.s32 $0x1BF5;
	[smem:$0x3FAF] =	sst s0  }
0x18: {  	s0 =	sld [smem:$0x3F92];
	_ =	swait.ge [sflag:s4], $0x0  }
0x19: {  	s7 =	sld [smem:$0x3F93]  }
0x1a: {  	s8 =	sadd.s32 $0xFFFFE003, lr  }
0x1b: {  	s9 =	sadd.s32 $0xFFFFFEF7, lr;
	s5 =	simm.s32 $0xFFFFFFFF;
	p2 =	slt.u32 s8, $0xFFFFF086  }
0x1c: {  	p1 =	slt.u32 s9, $0xF7A;
	s5 =	simm.s32 @!p2 $0x0  }
0x1d: {  	s5 =	simm.s32 @p1 $0x1;
	p0 =	seq.s32 s7, s2  }
0x1e: {  	s7 =	smul.u32 @!p0 $0xF7A, s2;
	p2 =	seq.s32 @!p0 s5, $0x0  }
0x1f: {  	s9 =	smul.u32 $0xF7A, s1;
	s8 =	simm.s32 @!p0 $0x1BF5;
	p2 =	por !p2, p0  }
0x20: {  	[sflag:s8] =	ssyncset.s32 @!p0 $0xFFFFF086;
	s6 =	sadd.s32 @!p0 s3, s7;
	s7 =	simm.s32 @!p0 $0x108  }
0x21: {  	s3 =	sadd.s32 s3, s9;
	s6 =	sadd.s32 @!p0 $0x88, s6;
	s7 =	simm.s32 @p2 $0x1082  }
0x22: {  	[simem:s7], [sflag:s8] =	dma.local @!p0 [hbm:s6], $0xF7A  }
0x23: {  	s9 =	sor.u32 $0xD0000000, s2;
	s6 =	simm.s32 $0x108;
	_ =	swait.ge @!p0 [sflag:s8], $0x0  }
0x24: {  	s3 =	sadd.s32 $0x88, s3;
	s6 =	simm.s32 @!p1 $0x1082;
	[sflag:s4] =	ssyncset.s32 $0xFFFFF086  }
0x25: {  	[simem:s6], [sflag:s4] =	dma.local [hbm:s3], $0xF7A  }
0x26: {  	[smem:$0x3F93] =	sst s1;
	(tag) =	ssettag s2;
	_ =	strace s9  }
0x27: {  	s1 =	sld [smem:$0x3FA3]  }
0x28: {  	s2 =	sld [smem:$0x3FA4]  }
0x29: {  	s4 =	sld [smem:$0x3FA6]  }
0x2a: {  	p0 =	seq.s32 s5, $0x0;
	s5 =	sld [smem:$0x3FA7]  }
0x2b: {  	s6 =	sld [smem:$0x3FA8]  }
0x2c: {  	s7 =	sld [smem:$0x3FA9]  }
0x2d: {  	s3 =	simm.s32 $0x108;
	s8 =	sld [smem:$0x3FAA]  }
0x2e: {  	s3 =	simm.s32 @!p0 $0x1082;
	s9 =	sld [smem:$0x3FAB]  }
0x2f: {  	lr =	sadd.s32 s0, s3;
	s0 =	sld [smem:$0x3FA2]  }
0x30: {  	s3 =	sld [smem:$0x3FA5]  }
0x31: {  	[smem:$0x3FAE] =	sst s10  }
0x32: {  	s10 =	sld [smem:$0x3FAC];
	_ =	sdelay $0x3  }
0x33: {  	p0 =	seq.s32 s10, $0x1;
	s10 =	sld [smem:$0x3FAE];
	_ =	sdelay $0x3  }
0x34: {  	[smem:$0x3FAE] =	sst s10  }
0x35: {  	s10 =	sld [smem:$0x3FAD];
	_ =	sdelay $0x3  }
0x36: {  	p1 =	seq.s32 s10, $0x1;
	s10 =	sld [smem:$0x3FAE];
	_ =	sdelay $0x3  }
0x37: {  	[smem:$0x3FAE] =	sst s10  }
0x38: {  	s10 =	sld [smem:$0x3FAF]  }
0x39: {  	_ = 	snop;
	(pc) =	sbr.ind lr, $3  }
0x3a: {  	_ = 	snop  }
0x3b: {  	_ = 	snop  }
0x3c: {  	p2 =	seq.s32 s10, $0x1;
	s10 =	sld [smem:$0x3FAE]  }
0x3d: {  	_ =	shalt  }
0x3e: {  	_ =	shalt  }
0x3f: {  	_ =	shalt  }
0x40: {  	_ =	shalt  }
0x41: {  	_ =	shalt  }
0x42: {  	_ =	shalt  }
0x43: {  	_ =	shalt  }
0x44: {  	_ =	shalt  }
0x45: {  	_ =	shalt  }
0x46: {  	_ =	shalt  }
0x47: {  	_ =	shalt  }
0x48: {  	_ =	shalt  }
0x49: {  	_ =	shalt  }
0x4a: {  	_ =	shalt  }
0x4b: {  	_ =	shalt  }
0x4c: {  	_ =	shalt  }
0x4d: {  	_ =	shalt  }
0x4e: {  	_ =	shalt  }
0x4f: {  	_ =	shalt  }
0x50: {  	_ =	shalt  }
0x51: {  	_ =	shalt  }
0x52: {  	_ =	shalt  }
0x53: {  	_ =	shalt  }
0x54: {  	_ =	shalt  }
0x55: {  	_ =	shalt  }
0x56: {  	_ =	shalt  }
0x57: {  	_ =	shalt  }
0x58: {  	_ =	shalt  }
0x59: {  	_ =	shalt  }
0x5a: {  	_ =	shalt  }
0x5b: {  	_ =	shalt  }
0x5c: {  	_ =	shalt  }
0x5d: {  	_ =	shalt  }
0x5e: {  	_ =	shalt  }
0x5f: {  	_ =	shalt  }
0x60: {  	_ =	shalt  }
0x61: {  	_ =	shalt  }
0x62: {  	_ =	shalt  }
0x63: {  	_ =	shalt  }
0x64: {  	_ =	shalt  }
0x65: {  	_ =	shalt  }
0x66: {  	_ =	shalt  }
0x67: {  	_ =	shalt  }
0x68: {  	_ =	shalt  }
0x69: {  	_ =	shalt  }
0x6a: {  	_ =	shalt  }
0x6b: {  	_ =	shalt  }
0x6c: {  	_ =	shalt  }
0x6d: {  	_ =	shalt  }
0x6e: {  	_ =	shalt  }
0x6f: {  	_ =	shalt  }
0x70: {  	_ =	shalt  }
0x71: {  	_ =	shalt  }
0x72: {  	_ =	shalt  }
0x73: {  	_ =	shalt  }
0x74: {  	_ =	shalt  }
0x75: {  	_ =	shalt  }
0x76: {  	_ =	shalt  }
0x77: {  	_ =	shalt  }
0x78: {  	_ =	shalt  }
0x79: {  	_ =	shalt  }
0x7a: {  	_ =	shalt  }
0x7b: {  	_ =	shalt  }
0x7c: {  	_ =	shalt  }
0x7d: {  	_ =	shalt  }
0x7e: {  	_ =	shalt  }
0x7f: {  	_ =	shalt  }
0x80: {  	_ =	shalt  }
0x81: {  	_ =	shalt  }
0x82: {  	_ =	shalt  }
0x83: {  	_ =	shalt  }
0x84: {  	_ =	shalt  }
0x85: {  	_ =	shalt  }
0x86: {  	_ =	shalt  }
0x87: {  	_ =	shalt  }
.Lfunc_end0:
.L_simem_size_0:
called_computation_lowered:
.L_overlay_start_0:
0x88: {  	s2 =	sld [smem:$0x3FD9]  }
0x89: {  	s3 =	sld [smem:$0x3FFE];
	_ =	sdelay $0x1  }
0x8a: {  	s1 =	srdreg.scid  }
0x8b: {  	s0 =	sand.u32 $0x1, s1  }
0x8c: {  	s14 =	sshll.u32 s0, $0xA;
	s2 =	sadd.s32 s3, s2  }
0x8d: {  	s2 =	sadd.s32 s2, s14  }
0x8e: {  	[smem:$0x3FBA] =	sst s2  }
0x8f: {  	_ = 	snop  }
0x90: {  	s2 =	sld [smem:$0x3FD0];
	_ =	sdelay $0x2  }
0x91: {  	s15 =	simm.s32 $0xA;
	s4 =	simm.s32 $0x10  }
0x92: {  	[smem:s4], [sflag:s15] =	dma.local [hbm:s2], $0x1  }
0x93: {  	_ =	swait.eq [sflag:s15], $0x1  }
0x94: {  	[sflag:s15] =	ssyncset.done $0x0  }
0x95: {  	[sflag:s15] =	ssyncadd.s32 $0xFFFFFFFF  }
0x96: {  	s16 =	sld [smem:$0x11];
	(tm) =	ssettm $0x1  }
0x97: {  	s17 =	sld [smem:$0x3FFB];
	_ =	sdelay $0x3  }
0x98: {  	_ =	strace s17  }
0x99: {  	s3 =	sld [smem:$0x3FFC];
	_ =	sdelay $0x3  }
0x9a: {  	_ =	strace s3  }
0x9b: {  	s3 =	sld [smem:$0x3FFD];
	_ =	sdelay $0x3  }
0x9c: {  	_ =	strace s3  }
0x9d: {  	_ =	strace $0x8FFFFFFF  }
0x9e: {  	s18 =	sld [smem:$0x3FDB];
	_ =	sdelay $0x1  }
0x9f: {  	s19 =	simm.s32 $_scs_section_size  }
0xa0: {  	s5 =	simm.s32 $_size__tile_overlayer_lowered;
	s6 =	simm.s32 $_tile_overlayer_lowered  }
0xa1: {  	s22 =	simm.s32 $0x1BFF;
	s21 =	sshll.u32 s6, $0x1;
	s3 =	sadd.s32 s19, s18  }
0xa2: {  	s7 =	simm.s32 $0x0;
	s20 =	sshll.u32 s5, $0x1;
	s5 =	sadd.s32 s21, s3  }
0xa3: {  	[timem:s7], [sflag:s22] =	dma.local [hbm:s5], s20  }
0xa4: {  	_ =	swait.ge [sflag:s22], s20  }
0xa5: {  	s4 =	ssub.s32 $0x0, s20;
	[sflag:s22] =	ssyncset.done $0x0  }
0xa6: {  	[sflag:s22] =	ssyncadd.s32 s4;
	_ =	sdelay $0x1  }
0xa7: {  	s23 =	simm.s32 $0x1B8B  }
0xa8: {  	_ =	swait.ge [sflag:s23], $0x1  }
0xa9: {  	[sflag:s23] =	ssyncset.done $0x0  }
0xaa: {  	s25 =	simm.s32 $0x1B8E;
	s24 =	sld [smem:$0x3FFE];
	[sflag:s23] =	ssyncadd.s32 $0xFFFFFFFF  }
0xab: {  	s26 =	simm.s32 $execute0_lowered;
	[smem:$0x3FD2] =	sst s25  }
0xac: {  	s5 =	sshll.u32 s26, $0x1;
	_ =	strace $0x80000046;
	[dreg:$0x1] =	wrdreg $0xFFFFFFFF  }
0xad: {  	s28 =	simm.s32 $_size_execute0_lowered;
	s3 =	sadd.s32 s3, s5;
	[dreg:$0x0] =	wrdreg $0x0  }
0xae: {  	s5 =	sshll.u32 s28, $0x1;
	[dreg:$0x2] =	wrdreg s3  }
0xaf: {  	[dreg:$0x3] =	wrdreg s5  }
0xb0: {  	[dreg:$0x4] =	wrdreg $0xC0  }
0xb1: {  	_ =	task [dreg:s7], $0x5FFFF  }
0xb2: {  	[dreg:$0x1] =	wrdreg $0xFFFFFFFF  }
0xb3: {  	[dreg:$0x0] =	wrdreg $0x60  }
0xb4: {  	[dreg:$0x2] =	wrdreg s24  }
0xb5: {  	[dreg:$0x3] =	wrdreg s16  }
0xb6: {  	[dreg:$0x4] =	wrdreg $0x9  }
0xb7: {  	_ =	task.clear_ibuf [dreg:s7], $0x5FFFF;
	_ =	strace $0x90000046  }
0xb8: {  	s29 =	simm.s32 $0x9;
	_ =	strace $0x80000048  }
0xb9: {  	_ =	swait.ge [sflag:s29], $0x1  }
0xba: {  	[sflag:s29] =	ssyncadd.s32 $0xFFFFFFFF  }
0xbb: {  	_ =	strace $0x90000048  }
0xbc: {  	_ =	sfence  }
0xbd: {  	s30 =	sld [smem:$0x0];
	_ =	sdelay $0x2  }
0xbe: {  	s31 =	sshll.u32 s1, $0xD;
	s1 =	sshrl.u32 s1, $0x2  }
0xbf: {  	s3 =	sand.u32 $0x4000, s31;
	s1 =	sadd.s32 s1, s30  }
0xc0: {  	s0 =	sor.u32 s3, s0;
	s1 =	sshll.u32 s1, $0x11  }
0xc1: {  	s0 =	sor.u32 s1, s0  }
0xc2: {  	s0 =	sadd.s32 $0x8F2B, s0  }
0xc3: {  	[sflag:s0] =	ssyncadd.remote.s32 $0x1  }
0xc4: {  	_ =	sfence.sel $0xFFFF  }
0xc5: {  	[dreg:$0x0] =	wrdreg $0xFFFFFFFF;
	(pc) =	sbr.abs _section_cstart, $3  }
0xc6: {  	[dreg:$0x1] =	wrdreg $0xFFFFFFFF  }
0xc7: {  	_ =	task.clear_ibuf [dreg:s7], $0x2FFFF;
	_ =	strace $0x9FFFFFFF  }
0xc8: {  	(tm) =	ssettm $0x7FFFFFFF  }
0xc9: {  	_ =	shalt  }
tec
execute0_lowered:
.L_overlay_start_1:
0x0: {  	(tag) =	ssettag $0x1  }
0x1: {  	s1 =	srdreg.scid;
	s4 =	rddreg [dreg:$0x0]  }
0x2: {  	s0 =	stileid.u32;
	s3 =	rddreg [dreg:$0x1];
	s2 =	simm.s32 $0x0  }
0x3: {  	s18 =	simm.s32 $0x880;
	s19 =	simm.s32 $0x1080;
	s20 =	simm.s32 $0x1880  }
0x4: {  	s21 =	simm.s32 $0x2080;
	s23 =	simm.s32 $0x2880;
	s24 =	simm.s32 $0x3080  }
0x5: {  	s25 =	simm.s32 $0x3880;
	s26 =	simm.s32 $0x4080;
	s7 =	simm.s32 $0x80  }
0x6: {  	s9 =	simm.s32 $0x5080;
	s10 =	simm.s32 $0x5880;
	[smem:$0x7FF] =	sst s2  }
0x7: {  	s11 =	simm.s32 $0x6080;
	_ =	strace $0x80000047;
	[dreg:$0x5] =	wrdreg s18  }
0x8: {  	s12 =	simm.s32 $0x6880;
	s13 =	simm.s32 $0x7080;
	[dreg:$0x6] =	wrdreg s19  }
0x9: {  	s14 =	simm.s32 $0x7880;
	s15 =	simm.s32 $0x8080;
	[dreg:$0x7] =	wrdreg s20  }
0xa: {  	s16 =	simm.s32 $0x8880;
	s28 =	simm.s32 $0xE080;
	[dreg:$0x8] =	wrdreg s21  }
0xb: {  	s29 =	simm.s32 $0xE880;
	s30 =	simm.s32 $0xF080;
	[dreg:$0x9] =	wrdreg s23  }
0xc: {  	s31 =	simm.s32 $0xF880;
	s1 =	sand.u32 $0x1, s1;
	[dreg:$0xa] =	wrdreg s24  }
0xd: {  	s5 =	sshll.u32 s0, $0x8;
	s6 =	sshll.u32 s1, $0x7;
	[dreg:$0xb] =	wrdreg s25  }
0xe: {  	s1 =	ssub.s32 $0x2, s1;
	[dreg:$0xc] =	wrdreg s26;
	s18 =	simm.s32 $0x9880  }
0xf: {  	s19 =	simm.s32 $0xA080;
	s20 =	simm.s32 $0xA880;
	s21 =	simm.s32 $0xB080  }
0x10: {  	s23 =	simm.s32 $0xC080;
	s24 =	simm.s32 $0xC880;
	s25 =	simm.s32 $0xD080  }
0x11: {  	s26 =	simm.s32 $0xD880;
	s5 =	sor.u32 s6, s5;
	s22 =	sshrl.u32 s1, $0x1  }
0x12: {  	s6 =	sshll.u32 s5, $0x6;
	s5 =	sshrl.u32 s5, $0x3;
	s1 =	ssub.s32 s1, s22  }
0x13: {  	s22 =	simm.s32 $0xB880;
	s6 =	sadd.s32 s6, s4;
	s3 =	sadd.s32 s3, s5  }
0x14: {  	v2 =	vlaneseq.u32;
	s5 =	smax.u32 s1, $0x1;
	s1 =	simm.s32 $0x1;
	[dreg:$0x3] =	wrdreg s3  }
0x15: {  	vm0 =	vmmov $0xffff;
	v1 =	vshrl.u32 v2, $0x3;
	s17 =	sadd.s32 $0x1600, s6;
	s3 =	sadd.s32 $0x401600, s4;
	s4 =	sadd.s32 $0x401700, s4  }
0x16: {  	v0 =	vand.u32 $0x7, v2;
	v2 =	vor.u32 $0x8, v2;
	v1 =	vmul.u32 $0x8, v1;
	s6 =	simm.s32 $0x2;
	[dreg:$0x4] =	wrdreg s17;
	s17 =	simm.s32 $0x9080  }
.LBB2_1:
0x17: {  	s0 =	rddreg [dreg:$0x3]  }
0x18: {  	[tilespmem:s2], [sflag:$0x2] =	stream.linear.gather [hbm4b:s0+s2], $0x80, $0x38;
	[tilespmem:$0x10080] =	vst v63  }
0x19: {  	_ =	swait.ge [sflag:s6], $0x80  }
0x1a: {  	[sflag:s6] =	ssyncset.done $0x0  }
0x1b: {  	[sflag:s6] =	ssyncadd.s32 $0xFFFFFF80  }
0x1c: {  	v3 =	vld [tilespmem:$0x0];
	_ =	sdelay $0x4  }
0x1d: {  	v4 =	vshll.u32 v3, $0x2  }
0x1e: {  	v3 =	vand.u32 $0x7, v3;
	v4 =	vand.u32 $0xFFFFFFE0, v4  }
0x1f: {  	v3 =	vor.u32 v3, v4  }
0x20: {  	v4 =	vperm.xlane v3, v0;
	_ =	sdelay $0x1  }
0x21: {  	v4 =	vadd.s32 v1, v4;
	_ =	sdelay $0x1  }
0x22: {  	v3 =	vperm.xlane v3, v2;
	_ =	sdelay $0x1  }
0x23: {  	v3 =	vadd.s32 v1, v3  }
0x24: {  	[tilespmem:s7], [sflag:$0x1] =	stream.indirect_vreg.gather [hbm4b:s3+s2], $0x80, v4, vm0, $0xb8;
	[tilespmem:$0x10080] =	vst v63  }
0x25: {  	s0 =	rddreg [dreg:$0x5]  }
0x26: {  	[tilespmem:s0], [sflag:$0x1] =	stream.indirect_vreg.gather [hbm4b:s4+s2], $0x80, v4, vm0, $0xb8;
	[tilespmem:$0x10080] =	vst v63  }
0x27: {  	s8 =	rddreg [dreg:$0x6]  }
0x28: {  	[tilespmem:s8], [sflag:$0x1] =	stream.indirect_vreg.gather [hbm4b:s3+s2], $0x80, v3, vm0, $0xb8;
	[tilespmem:$0x10080] =	vst v63  }
0x29: {  	s0 =	rddreg [dreg:$0x7]  }
0x2a: {  	[tilespmem:s0], [sflag:$0x1] =	stream.indirect_vreg.gather [hbm4b:s4+s2], $0x80, v3, vm0, $0xb8;
	[tilespmem:$0x10080] =	vst v63  }
0x2b: {  	v3 =	vld [tilespmem:$0x10];
	_ =	sdelay $0x4  }
0x2c: {  	v57 =	vshll.u32 v3, $0x2  }
0x2d: {  	v3 =	vand.u32 $0x7, v3;
	v4 =	vand.u32 $0xFFFFFFE0, v57  }
0x2e: {  	v3 =	vor.u32 v3, v4  }
0x2f: {  	v4 =	vperm.xlane v3, v0;
	_ =	sdelay $0x1  }
0x30: {  	v4 =	vadd.s32 v1, v4;
	_ =	sdelay $0x1  }
0x31: {  	v3 =	vperm.xlane v3, v2;
	_ =	sdelay $0x1  }
0x32: {  	s0 =	rddreg [dreg:$0x8];
	v3 =	vadd.s32 v1, v3  }
0x33: {  	[tilespmem:s0], [sflag:$0x1] =	stream.indirect_vreg.gather [hbm4b:s3+s2], $0x80, v4, vm0, $0xb8;
	[tilespmem:$0x10080] =	vst v63  }
0x34: {  	s8 =	rddreg [dreg:$0x9]  }
0x35: {  	[tilespmem:s8], [sflag:$0x1] =	stream.indirect_vreg.gather [hbm4b:s4+s2], $0x80, v4, vm0, $0xb8;
	[tilespmem:$0x10080] =	vst v63  }
0x36: {  	s0 =	rddreg [dreg:$0xa]  }
0x37: {  	[tilespmem:s0], [sflag:$0x1] =	stream.indirect_vreg.gather [hbm4b:s3+s2], $0x80, v3, vm0, $0xb8;
	[tilespmem:$0x10080] =	vst v63  }
0x38: {  	s8 =	rddreg [dreg:$0xb]  }
0x39: {  	[tilespmem:s8], [sflag:$0x1] =	stream.indirect_vreg.gather [hbm4b:s4+s2], $0x80, v3, vm0, $0xb8;
	[tilespmem:$0x10080] =	vst v63  }
0x3a: {  	v3 =	vld [tilespmem:$0x20];
	_ =	sdelay $0x4  }
0x3b: {  	v58 =	vshll.u32 v3, $0x2  }
0x3c: {  	v3 =	vand.u32 $0x7, v3;
	v4 =	vand.u32 $0xFFFFFFE0, v58  }
0x3d: {  	v3 =	vor.u32 v3, v4  }
0x3e: {  	v4 =	vperm.xlane v3, v0;
	_ =	sdelay $0x1  }
0x3f: {  	v4 =	vadd.s32 v1, v4;
	_ =	sdelay $0x1  }
0x40: {  	v3 =	vperm.xlane v3, v2;
	_ =	sdelay $0x1  }
0x41: {  	s8 =	rddreg [dreg:$0xc];
	v3 =	vadd.s32 v1, v3  }
0x42: {  	[tilespmem:s8], [sflag:$0x1] =	stream.indirect_vreg.gather [hbm4b:s3+s2], $0x80, v4, vm0, $0xb8;
	[tilespmem:$0x10080] =	vst v63  }
0x43: {  	s8 =	simm.s32 $0x4880  }
0x44: {  	[tilespmem:s8], [sflag:$0x1] =	stream.indirect_vreg.gather [hbm4b:s4+s2], $0x80, v4, vm0, $0xb8;
	[tilespmem:$0x10080] =	vst v63  }
0x45: {  	_ = 	snop  }
0x46: {  	[tilespmem:s9], [sflag:$0x1] =	stream.indirect_vreg.gather [hbm4b:s3+s2], $0x80, v3, vm0, $0xb8;
	[tilespmem:$0x10080] =	vst v63  }
0x47: {  	_ = 	snop  }
0x48: {  	[tilespmem:s10], [sflag:$0x1] =	stream.indirect_vreg.gather [hbm4b:s4+s2], $0x80, v3, vm0, $0xb8;
	[tilespmem:$0x10080] =	vst v63  }
0x49: {  	v3 =	vld [tilespmem:$0x30];
	_ =	sdelay $0x4  }
0x4a: {  	v59 =	vshll.u32 v3, $0x2  }
0x4b: {  	v3 =	vand.u32 $0x7, v3;
	v4 =	vand.u32 $0xFFFFFFE0, v59  }
0x4c: {  	v3 =	vor.u32 v3, v4  }
0x4d: {  	v4 =	vperm.xlane v3, v0;
	_ =	sdelay $0x1  }
0x4e: {  	v4 =	vadd.s32 v1, v4;
	_ =	sdelay $0x1  }
0x4f: {  	v3 =	vperm.xlane v3, v2;
	_ =	sdelay $0x1  }
0x50: {  	v3 =	vadd.s32 v1, v3  }
0x51: {  	[tilespmem:s11], [sflag:$0x1] =	stream.indirect_vreg.gather [hbm4b:s3+s2], $0x80, v4, vm0, $0xb8;
	[tilespmem:$0x10080] =	vst v63  }
0x52: {  	_ = 	snop  }
0x53: {  	[tilespmem:s12], [sflag:$0x1] =	stream.indirect_vreg.gather [hbm4b:s4+s2], $0x80, v4, vm0, $0xb8;
	[tilespmem:$0x10080] =	vst v63  }
0x54: {  	_ = 	snop  }
0x55: {  	[tilespmem:s13], [sflag:$0x1] =	stream.indirect_vreg.gather [hbm4b:s3+s2], $0x80, v3, vm0, $0xb8;
	[tilespmem:$0x10080] =	vst v63  }
0x56: {  	_ = 	snop  }
0x57: {  	[tilespmem:s14], [sflag:$0x1] =	stream.indirect_vreg.gather [hbm4b:s4+s2], $0x80, v3, vm0, $0xb8;
	[tilespmem:$0x10080] =	vst v63  }
0x58: {  	v3 =	vld [tilespmem:$0x40];
	_ =	sdelay $0x4  }
0x59: {  	v60 =	vshll.u32 v3, $0x2  }
0x5a: {  	v3 =	vand.u32 $0x7, v3;
	v4 =	vand.u32 $0xFFFFFFE0, v60  }
0x5b: {  	v3 =	vor.u32 v3, v4  }
0x5c: {  	v4 =	vperm.xlane v3, v0;
	_ =	sdelay $0x1  }
0x5d: {  	v4 =	vadd.s32 v1, v4;
	_ =	sdelay $0x1  }
0x5e: {  	v3 =	vperm.xlane v3, v2;
	_ =	sdelay $0x1  }
0x5f: {  	v3 =	vadd.s32 v1, v3  }
0x60: {  	[tilespmem:s15], [sflag:$0x1] =	stream.indirect_vreg.gather [hbm4b:s3+s2], $0x80, v4, vm0, $0xb8;
	[tilespmem:$0x10080] =	vst v63  }
0x61: {  	_ = 	snop  }
0x62: {  	[tilespmem:s16], [sflag:$0x1] =	stream.indirect_vreg.gather [hbm4b:s4+s2], $0x80, v4, vm0, $0xb8;
	[tilespmem:$0x10080] =	vst v63  }
0x63: {  	_ = 	snop  }
0x64: {  	[tilespmem:s17], [sflag:$0x1] =	stream.indirect_vreg.gather [hbm4b:s3+s2], $0x80, v3, vm0, $0xb8;
	[tilespmem:$0x10080] =	vst v63  }
0x65: {  	_ = 	snop  }
0x66: {  	[tilespmem:s18], [sflag:$0x1] =	stream.indirect_vreg.gather [hbm4b:s4+s2], $0x80, v3, vm0, $0xb8;
	[tilespmem:$0x10080] =	vst v63  }
0x67: {  	v3 =	vld [tilespmem:$0x50];
	_ =	sdelay $0x4  }
0x68: {  	v61 =	vshll.u32 v3, $0x2  }
0x69: {  	v3 =	vand.u32 $0x7, v3;
	v4 =	vand.u32 $0xFFFFFFE0, v61  }
0x6a: {  	v3 =	vor.u32 v3, v4  }
0x6b: {  	v4 =	vperm.xlane v3, v0;
	_ =	sdelay $0x1  }
0x6c: {  	v4 =	vadd.s32 v1, v4;
	_ =	sdelay $0x1  }
0x6d: {  	v3 =	vperm.xlane v3, v2;
	_ =	sdelay $0x1  }
0x6e: {  	v3 =	vadd.s32 v1, v3  }
0x6f: {  	[tilespmem:s19], [sflag:$0x1] =	stream.indirect_vreg.gather [hbm4b:s3+s2], $0x80, v4, vm0, $0xb8;
	[tilespmem:$0x10080] =	vst v63  }
0x70: {  	_ = 	snop  }
0x71: {  	[tilespmem:s20], [sflag:$0x1] =	stream.indirect_vreg.gather [hbm4b:s4+s2], $0x80, v4, vm0, $0xb8;
	[tilespmem:$0x10080] =	vst v63  }
0x72: {  	_ = 	snop  }
0x73: {  	[tilespmem:s21], [sflag:$0x1] =	stream.indirect_vreg.gather [hbm4b:s3+s2], $0x80, v3, vm0, $0xb8;
	[tilespmem:$0x10080] =	vst v63  }
0x74: {  	_ = 	snop  }
0x75: {  	[tilespmem:s22], [sflag:$0x1] =	stream.indirect_vreg.gather [hbm4b:s4+s2], $0x80, v3, vm0, $0xb8;
	[tilespmem:$0x10080] =	vst v63  }
0x76: {  	v3 =	vld [tilespmem:$0x60];
	_ =	sdelay $0x4  }
0x77: {  	v62 =	vshll.u32 v3, $0x2  }
0x78: {  	v3 =	vand.u32 $0x7, v3;
	v4 =	vand.u32 $0xFFFFFFE0, v62  }
0x79: {  	v3 =	vor.u32 v3, v4  }
0x7a: {  	v4 =	vperm.xlane v3, v0;
	_ =	sdelay $0x1  }
0x7b: {  	v4 =	vadd.s32 v1, v4;
	_ =	sdelay $0x1  }
0x7c: {  	v3 =	vperm.xlane v3, v2;
	_ =	sdelay $0x1  }
0x7d: {  	v3 =	vadd.s32 v1, v3  }
0x7e: {  	[tilespmem:s23], [sflag:$0x1] =	stream.indirect_vreg.gather [hbm4b:s3+s2], $0x80, v4, vm0, $0xb8;
	[tilespmem:$0x10080] =	vst v63  }
0x7f: {  	_ = 	snop  }
0x80: {  	[tilespmem:s24], [sflag:$0x1] =	stream.indirect_vreg.gather [hbm4b:s4+s2], $0x80, v4, vm0, $0xb8;
	[tilespmem:$0x10080] =	vst v63  }
0x81: {  	_ = 	snop  }
0x82: {  	[tilespmem:s25], [sflag:$0x1] =	stream.indirect_vreg.gather [hbm4b:s3+s2], $0x80, v3, vm0, $0xb8;
	[tilespmem:$0x10080] =	vst v63  }
0x83: {  	_ = 	snop  }
0x84: {  	[tilespmem:s26], [sflag:$0x1] =	stream.indirect_vreg.gather [hbm4b:s4+s2], $0x80, v3, vm0, $0xb8;
	[tilespmem:$0x10080] =	vst v63  }
0x85: {  	v3 =	vld [tilespmem:$0x70];
	_ =	sdelay $0x4  }
0x86: {  	v63 =	vshll.u32 v3, $0x2  }
0x87: {  	v3 =	vand.u32 $0x7, v3;
	v4 =	vand.u32 $0xFFFFFFE0, v63  }
0x88: {  	v3 =	vor.u32 v3, v4  }
0x89: {  	v4 =	vperm.xlane v3, v0;
	_ =	sdelay $0x1  }
0x8a: {  	v4 =	vadd.s32 v1, v4;
	_ =	sdelay $0x1  }
0x8b: {  	v3 =	vperm.xlane v3, v2;
	_ =	sdelay $0x1  }
0x8c: {  	v3 =	vadd.s32 v1, v3  }
0x8d: {  	[tilespmem:s28], [sflag:$0x1] =	stream.indirect_vreg.gather [hbm4b:s3+s2], $0x80, v4, vm0, $0xb8;
	[tilespmem:$0x10080] =	vst v63  }
0x8e: {  	_ = 	snop  }
0x8f: {  	[tilespmem:s29], [sflag:$0x1] =	stream.indirect_vreg.gather [hbm4b:s4+s2], $0x80, v4, vm0, $0xb8;
	[tilespmem:$0x10080] =	vst v63  }
0x90: {  	_ = 	snop  }
0x91: {  	[tilespmem:s30], [sflag:$0x1] =	stream.indirect_vreg.gather [hbm4b:s3+s2], $0x80, v3, vm0, $0xb8;
	[tilespmem:$0x10080] =	vst v63  }
0x92: {  	_ = 	snop  }
0x93: {  	[tilespmem:s31], [sflag:$0x1] =	stream.indirect_vreg.gather [hbm4b:s4+s2], $0x80, v3, vm0, $0xb8;
	[tilespmem:$0x10080] =	vst v63  }
0x94: {  	_ =	swait.ge [sflag:s1], $0x10000  }
0x95: {  	p0 =	sne.s32 s5, $0x1;
	[sflag:s1] =	ssyncset.done $0x0  }
.Ltmp0:
0x96: {  	s8 =	rddreg [dreg:$0x4];
	[sflag:s1] =	ssyncadd.s32 $0xFFFF0000;
	(pc) =	sbr.rel @p0 .LBB2_1-.Ltmp0, $4  }
0x97: {  	[hbm4b:s8+s2] =	stream.linear.scatter [tilespmem:s7], [sflag:$0x2], $0x10000, $0x38;
	[tilespmem:$0x10080] =	vst v63  }
0x98: {  	_ =	swait.ge [sflag:s6], $0x10000  }
0x99: {  	[sflag:s6] =	ssyncset.done $0x0  }
0x9a: {  	s5 =	sadd.s32 $0xFFFFFFFF, s5;
	[sflag:s6] =	ssyncadd.s32 $0xFFFF0000  }
0x9b: {  	_ =	sfence.sel $0x180000  }
0x9c: {  	[bflag:$0x0] =	sbarrier.arrive $0xFFFF  }
0x9d: {  	_ =	strace $0x90000047  }
0x9e: {  	s0 =	stileid.u32;
	[bflag:$0x2] =	sbarrier.arrive $0xFFFF  }
0x9f: {  	p0 =	sne.s32 s0, $0x0;
	s0 =	rddreg [dreg:$0x2]  }
0xa0: {  	s0 =	sadd.s32 @!p0 $0x100000, s0  }
0xa1: {  	[sflag:s0] =	ssyncadd.tile.s32 @!p0 $0x1;
	_ =	shalt  }
.Lfunc_end2:
_tile_overlayer_lowered:
.L_overlay_start_2:
0xa2: {  	(tag) =	ssettag $0x2  }
0xa3: {  	s0 =	rddreg [dreg:$0x0];
	s2 =	stileid.u32  }
0xa4: {  	s1 =	rddreg [dreg:$0x1];
	p0 =	sne.s32 s2, $0x0  }
0xa5: {  	s3 =	rddreg [dreg:$0x2];
	[bflag:$0x3] =	sbarrier.arrive $0xFFFF;
	s2 =	simm.s32 @!p0 $0x1C02  }
0xa6: {  	[timem:s3], [sflag:s2] =	dma.local @!p0 [hbm:s0], s1  }
0xa7: {  	s0 =	simm.s32 @!p0 $0x2  }
0xa8: {  	_ =	swait.ge @!p0 [sflag:s0], s1  }
0xa9: {  	s1 =	ssub.s32 @!p0 $0x0, s1;
	[sflag:s0] =	ssyncset.done @!p0 $0x0  }
0xaa: {  	[sflag:s0] =	ssyncadd.s32 @!p0 s1  }
0xab: {  	[bflag:$0x3] =	sbarrier.arrive $0xFFFF  }
0xac: {  	_ =	shalt  }

</sc_bundles>
